<compile_context>
chip_gen: v7x
topology: tpu7x:2x2x1
jax: 0.10.2.dev20260603
libtpu: 0.0.44.dev20260713+nightly
codegen_flags: <defaults>
</compile_context>

<pallas_src>
import functools

import jax
import jax.numpy as jnp
from jax import lax
from jax.experimental import pallas as pl
from jax.experimental.pallas import tpu as pltpu
from jax.experimental.pallas import tpu_sc as plsc

_NT = 256


def _dist_body(x_ref, e_ref, x2_ref, y2_ref, if_ref, k_ref, dist_ref, ind_ref):
    x = x_ref[...]
    e = e_ref[...]
    x2 = x2_ref[...]
    y2 = y2_ref[...]
    iota = if_ref[...]
    xy = lax.dot_general(x, e, (((1,), (1,)), ((), ())),
                         preferred_element_type=jnp.float32)
    sq = (x2 + y2) + (xy * -2.0)
    dist = -jnp.sqrt(jnp.maximum(sq, 0.0))
    dist_ref[...] = dist

    v1 = jnp.max(dist, axis=1, keepdims=True)
    t = jnp.where(dist == v1, iota, jnp.inf)
    i1f = jnp.min(t, axis=1, keepdims=True)
    masked = jnp.where(t == i1f, -jnp.inf, dist)
    v2 = jnp.max(masked, axis=1, keepdims=True)
    i2f = jnp.min(jnp.where(masked == v2, iota, jnp.inf), axis=1, keepdims=True)
    indf = jnp.where(k_ref[...] == 0, i1f, i2f)
    ind_ref[...] = indf.astype(jnp.int32)


def _dist_topk(flat, emb, x2, y2, iota_row, k):
    n, d = flat.shape
    kc = emb.shape[0]
    return pl.pallas_call(
        _dist_body,
        grid=(n // _NT,),
        in_specs=[
            pl.BlockSpec((_NT, d), lambda i: (i, 0)),
            pl.BlockSpec((kc, d), lambda i: (0, 0)),
            pl.BlockSpec((_NT, 1), lambda i: (i, 0)),
            pl.BlockSpec((1, kc), lambda i: (0, 0)),
            pl.BlockSpec((1, kc), lambda i: (0, 0)),
            pl.BlockSpec((1, 1), lambda i: (0, 0)),
        ],
        out_specs=[
            pl.BlockSpec((_NT, kc), lambda i: (i, 0)),
            pl.BlockSpec((_NT, 1), lambda i: (i, 0)),
        ],
        out_shape=[
            jax.ShapeDtypeStruct((n, kc), jnp.float32),
            jax.ShapeDtypeStruct((n, 1), jnp.int32),
        ],
        compiler_params=pltpu.CompilerParams(
            dimension_semantics=("parallel",),
        ),
    )(flat, emb, x2, y2, iota_row, k)


def _sc_gather(emb, ind):
    info = plsc.get_sparse_core_info()
    nc, ns = info.num_cores, info.num_subcores
    nw = nc * ns
    b = ind.shape[0]
    d = emb.shape[1]
    bpw = b // nw
    mesh = plsc.VectorSubcoreMesh(core_axis_name="c", subcore_axis_name="s")

    @functools.partial(
        pl.kernel,
        mesh=mesh,
        out_type=jax.ShapeDtypeStruct((b, d), jnp.float32),
        scratch_types=[
            pltpu.VMEM((bpw,), jnp.int32),
            pltpu.VMEM((bpw, d), jnp.float32),
            pltpu.SemaphoreType.DMA,
        ],
    )
    def gk(table_hbm, idx_hbm, out_hbm, idx_v, rows_v, sem):
        wid = lax.axis_index("s") * nc + lax.axis_index("c")
        base = wid * bpw
        pltpu.sync_copy(idx_hbm.at[pl.ds(base, bpw)], idx_v)
        pltpu.async_copy(table_hbm.at[idx_v], rows_v, sem).wait()
        pltpu.sync_copy(rows_v, out_hbm.at[pl.ds(base, bpw)])

    return gk(emb, ind)


def kernel(x, k, embed):
    b, n, d = x.shape
    kc = embed.shape[1]
    flat = x.reshape(b * n, d)
    emb = embed.reshape(kc, d)
    x2 = jnp.sum(flat ** 2, axis=-1)[:, None]
    y2 = jnp.sum(emb ** 2, axis=-1)[None, :]
    iota_row = jnp.arange(kc, dtype=jnp.float32)[None, :]
    k_arr = jnp.asarray(k, dtype=jnp.int32).reshape(1, 1)
    dist, ind2d = _dist_topk(flat, emb, x2, y2, iota_row, k_arr)
    ind = ind2d[:, 0]
    quant = _sc_gather(emb, ind)
    quantize = quant.reshape(b, n, d)
    embed_ind = ind.reshape(b, n)
    dist_out = dist.reshape(1, b, n, kc)
    return quantize, embed_ind, dist_out

# --- scband reference (transcript-rebuilt; emitter-appended) ---
"""Pipeline reference for scband-euclidean-codebook-top-k-46265387713141 (READ-ONLY COPY).

The authoritative reference and input builder live on the scoring server;
editing this copy changes nothing except your own understanding.
"""

import jax, jax.numpy as jnp
import numpy as np

NUM_CODEBOOKS = 1
CODEBOOK_SIZE = 8192
DIM = 256


def _cdist(x, y):
    # euclidean cdist as in vector-quantize-pytorch: batched over codebook dim h
    x2 = jnp.sum(x ** 2, axis=-1)
    y2 = jnp.sum(y ** 2, axis=-1)
    xy = jnp.einsum('hid,hjd->hij', x, y) * -2
    sq = x2[..., None] + y2[:, None, :] + xy
    return jnp.sqrt(jnp.clip(sq, 0.0, None))


def setup_inputs(seed: int = 0) -> dict:
    key = jax.random.key(seed)
    k1, k2 = jax.random.split(key)
    x = jax.random.normal(k1, (8, 576, 256), dtype=jnp.float32)
    # uniform (kaiming-uniform-like) codebook init
    bound = float(np.sqrt(3.0 / DIM))
    embed = jax.random.uniform(k2, (NUM_CODEBOOKS, CODEBOOK_SIZE, DIM), dtype=jnp.float32, minval=-bound, maxval=bound)
    return {"x": x, "k": 1, "embed": embed}


def reference(x, k, embed):
    # forward of EuclideanCodebookTopK, training path, stochastic=False,
    # straight_through=False (defaults of gumbel_sample_topk) -> deterministic top-k select
    needs_codebook_dim = x.ndim < 4
    if needs_codebook_dim:
        x = x[None, ...]  # rearrange '... -> 1 ...'
    h, b, n, d = x.shape
    flatten = x.reshape(h, b * n, d)  # pack 'h * d'
    dist = -_cdist(flatten, embed)  # [h, N, K]
    # gumbel_sample_topk: ind = topk(logits, k+1).indices[:, :, k]
    _, topk_ind = jax.lax.top_k(dist, 2)
    ind = topk_ind[:, :, k]  # [h, N]
    one_hot = jax.nn.one_hot(ind, CODEBOOK_SIZE, dtype=dist.dtype)  # [h, N, K]
    embed_ind = ind.reshape(h, b, n)  # unpack 'h *'
    unpacked_onehot = one_hot.reshape(h, b, n, CODEBOOK_SIZE)
    # training path: quantize = einsum('h b n c, h c d -> h b n d', onehot, embed)
    quantize = jnp.einsum('hbnc,hcd->hbnd', unpacked_onehot, embed)
    dist_out = dist.reshape(h, b, n, CODEBOOK_SIZE)
    if needs_codebook_dim:
        quantize = quantize[0]
        embed_ind = embed_ind[0]
    return quantize, embed_ind, dist_out

if __name__ == "__main__":
    import jax
    _d = setup_inputs()
    print(jax.jit(kernel)(*tuple(_d.values())))

</pallas_src>

<mosaic_0001>
#map = affine_map<(d0, d1) -> (0, 0)>
#map1 = affine_map<(d0, d1) -> (0)>
module attributes {stable_mosaic.version = 14 : i64} {
  func.func @gk(%arg0: i32, %arg1: i32, %arg2: memref<8192x256xf32, #tpu.memory_space<hbm>>, %arg3: memref<4608xi32, #tpu.memory_space<hbm>>, %arg4: memref<4608x256xf32, #tpu.memory_space<hbm>>, %arg5: memref<144xi32, #tpu.memory_space<vmem>>, %arg6: memref<144x256xf32, #tpu.memory_space<vmem>>, %arg7: memref<!tpu.dma_semaphore, #tpu.memory_space<semaphore_mem>>) attributes {dimension_semantics = [#tpu.dimension_semantics<core_parallel>, #tpu.dimension_semantics<subcore_parallel>], iteration_bounds = array<i64: 2, 16>, scalar_prefetch = 0 : i64, scratch_operands = 3 : i64, tpu.core_type = #tpu.core_type<sc_vector_subcore>, window_params = [{transform_indices = #map}, {transform_indices = #map1}, {transform_indices = #map}]} {
    %mul3A = arith.constant 2 : i32
    %mul3A_0 = arith.muli %arg1, %mul3A : i32
    %add3A = arith.addi %mul3A_0, %arg0 : i32
    %mul3A_1 = arith.constant 144 : i32
    %mul3A_2 = arith.muli %add3A, %mul3A_1 : i32
    "tpu.region"() ({
      %run_scoped3A = tpu.sem_alloc : memref<!tpu.dma_semaphore, #tpu.memory_space<semaphore_mem>>
      %dma_start3A_7 = tpu.memref_slice %arg3[%mul3A_2] : memref<4608xi32, #tpu.memory_space<hbm>> -> memref<144xi32, #tpu.memory_space<hbm>>
      %dma_start3A_8 = tpu.memref_slice %arg3[%mul3A_2] : memref<4608xi32, #tpu.memory_space<hbm>> -> memref<144xi32, #tpu.memory_space<hbm>>
      tpu.enqueue_dma source(%dma_start3A_8 : memref<144xi32, #tpu.memory_space<hbm>>) target(%arg5 : memref<144xi32, #tpu.memory_space<vmem>>) target_semaphore(%run_scoped3A : memref<!tpu.dma_semaphore, #tpu.memory_space<semaphore_mem>>)
      %dma_wait3A_9 = tpu.memref_slice %arg3[%mul3A_2] : memref<4608xi32, #tpu.memory_space<hbm>> -> memref<144xi32, #tpu.memory_space<hbm>>
      %dma_wait3A_10 = tpu.memref_slice %arg3[%mul3A_2] : memref<4608xi32, #tpu.memory_space<hbm>> -> memref<144xi32, #tpu.memory_space<hbm>>
      tpu.wait_dma2 semaphore(%run_scoped3A : memref<!tpu.dma_semaphore, #tpu.memory_space<semaphore_mem>>) src(%dma_wait3A_10 : memref<144xi32, #tpu.memory_space<hbm>>) dst(%arg5 : memref<144xi32, #tpu.memory_space<vmem>>)
      tpu.yield
    }) : () -> ()
    %dma_start3A = arith.constant 0 : i32
    %dma_start3A_3 = arith.constant 0 : i32
    %dma_start3A_4 = tpu.memref_slice %arg2[%dma_start3A, %dma_start3A_3] : memref<8192x256xf32, #tpu.memory_space<hbm>> -> memref<8192x256xf32, #tpu.memory_space<hbm>>
    tpu.enqueue_indirect_dma source(%dma_start3A_4 : memref<8192x256xf32, #tpu.memory_space<hbm>>) target(%arg6 : memref<144x256xf32, #tpu.memory_space<vmem>>) offsets(%arg5 : memref<144xi32, #tpu.memory_space<vmem>>) semaphore(%arg7 : memref<!tpu.dma_semaphore, #tpu.memory_space<semaphore_mem>>)
    %dma_wait3A = arith.constant 0 : i32
    %dma_wait3A_5 = arith.constant 0 : i32
    %dma_wait3A_6 = tpu.memref_slice %arg2[%dma_wait3A, %dma_wait3A_5] : memref<8192x256xf32, #tpu.memory_space<hbm>> -> memref<8192x256xf32, #tpu.memory_space<hbm>>
    tpu.wait_indirect_dma semaphore(%arg7 : memref<!tpu.dma_semaphore, #tpu.memory_space<semaphore_mem>>) src(%dma_wait3A_6 : memref<8192x256xf32, #tpu.memory_space<hbm>>) dst(%arg6 : memref<144x256xf32, #tpu.memory_space<vmem>>)
    "tpu.region"() ({
      %run_scoped3A = tpu.sem_alloc : memref<!tpu.dma_semaphore, #tpu.memory_space<semaphore_mem>>
      %dma_start3A_7 = arith.constant 0 : i32
      %dma_start3A_8 = tpu.memref_slice %arg4[%mul3A_2, %dma_start3A_7] : memref<4608x256xf32, #tpu.memory_space<hbm>> -> memref<144x256xf32, #tpu.memory_space<hbm>>
      %dma_start3A_9 = arith.constant 0 : i32
      %dma_start3A_10 = tpu.memref_slice %arg4[%mul3A_2, %dma_start3A_9] : memref<4608x256xf32, #tpu.memory_space<hbm>> -> memref<144x256xf32, #tpu.memory_space<hbm>>
      tpu.enqueue_dma source(%arg6 : memref<144x256xf32, #tpu.memory_space<vmem>>) target(%dma_start3A_10 : memref<144x256xf32, #tpu.memory_space<hbm>>) target_semaphore(%run_scoped3A : memref<!tpu.dma_semaphore, #tpu.memory_space<semaphore_mem>>)
      %dma_wait3A_11 = arith.constant 0 : i32
      %dma_wait3A_12 = tpu.memref_slice %arg4[%mul3A_2, %dma_wait3A_11] : memref<4608x256xf32, #tpu.memory_space<hbm>> -> memref<144x256xf32, #tpu.memory_space<hbm>>
      %dma_wait3A_13 = arith.constant 0 : i32
      %dma_wait3A_14 = tpu.memref_slice %arg4[%mul3A_2, %dma_wait3A_13] : memref<4608x256xf32, #tpu.memory_space<hbm>> -> memref<144x256xf32, #tpu.memory_space<hbm>>
      tpu.wait_dma2 semaphore(%run_scoped3A : memref<!tpu.dma_semaphore, #tpu.memory_space<semaphore_mem>>) src(%arg6 : memref<144x256xf32, #tpu.memory_space<vmem>>) dst(%dma_wait3A_14 : memref<144x256xf32, #tpu.memory_space<hbm>>)
      tpu.yield
    }) : () -> ()
    return
  }
}

module attributes {stable_mosaic.version = 14 : i64} {
  func.func @_dist_body(%arg0: i32, %arg1: memref<256x256xf32, #tpu.memory_space<vmem>>, %arg2: memref<8192x256xf32, #tpu.memory_space<vmem>>, %arg3: memref<256x1xf32, #tpu.memory_space<vmem>>, %arg4: memref<1x8192xf32, #tpu.memory_space<vmem>>, %arg5: memref<1x8192xf32, #tpu.memory_space<vmem>>, %arg6: memref<1x1xi32, #tpu.memory_space<vmem>>, %arg7: memref<256x8192xf32, #tpu.memory_space<vmem>>, %arg8: memref<256x1xi32, #tpu.memory_space<vmem>>) attributes {dimension_semantics = [#tpu.dimension_semantics<parallel>], iteration_bounds = array<i64: 18>, scalar_prefetch = 0 : i64, scratch_operands = 0 : i64, tpu.core_type = #tpu.core_type<tc>, window_params = [{transform_indices = @transform_0, window_bounds = array<i64: 256, 256>}, {pipeline_mode = #tpu.pipeline_mode<synchronous>, transform_indices = @transform_1, window_bounds = array<i64: 8192, 256>}, {transform_indices = @transform_2, window_bounds = array<i64: 256, 1>}, {pipeline_mode = #tpu.pipeline_mode<synchronous>, transform_indices = @transform_3, window_bounds = array<i64: 1, 8192>}, {pipeline_mode = #tpu.pipeline_mode<synchronous>, transform_indices = @transform_4, window_bounds = array<i64: 1, 8192>}, {pipeline_mode = #tpu.pipeline_mode<synchronous>, transform_indices = @transform_5, window_bounds = array<i64: 1, 1>}, {transform_indices = @transform_6, window_bounds = array<i64: 256, 8192>}, {transform_indices = @transform_7, window_bounds = array<i64: 256, 1>}]} {
    %get3A = arith.constant 0 : index
    %get3A_0 = arith.constant 0 : index
    %get3A_1 = vector.load %arg1[%get3A, %get3A_0] : memref<256x256xf32, #tpu.memory_space<vmem>>, vector<256x256xf32>
    %get3A_2 = arith.constant 0 : index
    %get3A_3 = arith.constant 0 : index
    %get3A_4 = vector.load %arg2[%get3A_2, %get3A_3] : memref<8192x256xf32, #tpu.memory_space<vmem>>, vector<8192x256xf32>
    %get3A_5 = arith.constant 0 : index
    %get3A_6 = arith.constant 0 : index
    %get3A_7 = vector.load %arg3[%get3A_5, %get3A_6] : memref<256x1xf32, #tpu.memory_space<vmem>>, vector<256x1xf32>
    %get3A_8 = arith.constant 0 : index
    %get3A_9 = arith.constant 0 : index
    %get3A_10 = vector.load %arg4[%get3A_8, %get3A_9] : memref<1x8192xf32, #tpu.memory_space<vmem>>, vector<1x8192xf32>
    %get3A_11 = arith.constant 0 : index
    %get3A_12 = arith.constant 0 : index
    %get3A_13 = vector.load %arg5[%get3A_11, %get3A_12] : memref<1x8192xf32, #tpu.memory_space<vmem>>, vector<1x8192xf32>
    %dot_general3A = arith.constant dense<0.000000e+00> : vector<256x8192xf32>
    %dot_general3A_14 = tpu.matmul %get3A_1, %get3A_4, %dot_general3A {dimension_numbers = #tpu.dot_dimension_numbers<[1], [1], [0], [0], [0, 0, 1, 0], [], []>, transpose_lhs_hint = false} : vector<256x256xf32>, vector<8192x256xf32>, vector<256x8192xf32> -> vector<256x8192xf32>
    %add3A = vector.broadcast %get3A_7 : vector<256x1xf32> to vector<256x8192xf32>
    %add3A_15 = vector.broadcast %get3A_10 : vector<1x8192xf32> to vector<256x8192xf32>
    %add3A_16 = arith.addf %add3A, %add3A_15 : vector<256x8192xf32>
    %mul3A = arith.constant -2.000000e+00 : f32
    %mul3A_17 = vector.broadcast %mul3A : f32 to vector<256x8192xf32>
    %mul3A_18 = arith.mulf %dot_general3A_14, %mul3A_17 : vector<256x8192xf32>
    %add3A_19 = arith.addf %add3A_16, %mul3A_18 : vector<256x8192xf32>
    %max3A = arith.constant 0.000000e+00 : f32
    %max3A_20 = vector.broadcast %max3A : f32 to vector<256x8192xf32>
    %max3A_21 = arith.maximumf %add3A_19, %max3A_20 : vector<256x8192xf32>
    %sqrt3A = math.sqrt %max3A_21 : vector<256x8192xf32>
    %neg3A = arith.constant 0.000000e+00 : f32
    %neg3A_22 = vector.broadcast %neg3A : f32 to vector<256x8192xf32>
    %neg3A_23 = arith.subf %neg3A_22, %sqrt3A : vector<256x8192xf32>
    %swap3A = arith.constant 0 : index
    %swap3A_24 = arith.constant 0 : index
    %swap3A_25 = vector.load %arg7[%swap3A, %swap3A_24] : memref<256x8192xf32, #tpu.memory_space<vmem>>, vector<256x8192xf32>
    tpu.vector_store %arg7[%swap3A, %swap3A_24], %neg3A_23 {strides = array<i32>} : memref<256x8192xf32, #tpu.memory_space<vmem>>, vector<256x8192xf32>,
    %reduce_max3A = arith.constant dense<0xFF800000> : vector<256xf32>
    %reduce_max3A_26 = vector.multi_reduction <maximumf>, %neg3A_23, %reduce_max3A [1] : vector<256x8192xf32> to vector<256xf32>
    %broadcast_in_dim3A = vector.shape_cast %reduce_max3A_26 : vector<256xf32> to vector<256x1xf32>
    %eq3A = vector.broadcast %broadcast_in_dim3A : vector<256x1xf32> to vector<256x8192xf32>
    %eq3A_27 = arith.cmpf oeq, %neg3A_23, %eq3A : vector<256x8192xf32>
    %jit3A = arith.constant 0x7F800000 : f32
    %broadcast_in_dim3A_28 = vector.shape_cast %get3A_13 : vector<1x8192xf32> to vector<1x8192xf32>
    %broadcast_in_dim3A_29 = vector.broadcast %broadcast_in_dim3A_28 : vector<1x8192xf32> to vector<256x8192xf32>
    %broadcast_in_dim3A_30 = vector.broadcast %jit3A : f32 to vector<256x8192xf32>
    %select_n3A = arith.select %eq3A_27, %broadcast_in_dim3A_29, %broadcast_in_dim3A_30 : vector<256x8192xi1>, vector<256x8192xf32>
    %reduce_min3A = arith.constant dense<0x7F800000> : vector<256xf32>
    %reduce_min3A_31 = vector.multi_reduction <minimumf>, %select_n3A, %reduce_min3A [1] : vector<256x8192xf32> to vector<256xf32>
    %broadcast_in_dim3A_32 = vector.shape_cast %reduce_min3A_31 : vector<256xf32> to vector<256x1xf32>
    %eq3A_33 = vector.broadcast %broadcast_in_dim3A_32 : vector<256x1xf32> to vector<256x8192xf32>
    %eq3A_34 = arith.cmpf oeq, %select_n3A, %eq3A_33 : vector<256x8192xf32>
    %jit3A_35 = arith.constant 0xFF800000 : f32
    %broadcast_in_dim3A_36 = vector.broadcast %jit3A_35 : f32 to vector<256x8192xf32>
    %select_n3A_37 = arith.select %eq3A_34, %broadcast_in_dim3A_36, %neg3A_23 : vector<256x8192xi1>, vector<256x8192xf32>
    %reduce_max3A_38 = arith.constant dense<0xFF800000> : vector<256xf32>
    %reduce_max3A_39 = vector.multi_reduction <maximumf>, %select_n3A_37, %reduce_max3A_38 [1] : vector<256x8192xf32> to vector<256xf32>
    %broadcast_in_dim3A_40 = vector.shape_cast %reduce_max3A_39 : vector<256xf32> to vector<256x1xf32>
    %eq3A_41 = vector.broadcast %broadcast_in_dim3A_40 : vector<256x1xf32> to vector<256x8192xf32>
    %eq3A_42 = arith.cmpf oeq, %select_n3A_37, %eq3A_41 : vector<256x8192xf32>
    %jit3A_43 = arith.constant 0x7F800000 : f32
    %broadcast_in_dim3A_44 = vector.shape_cast %get3A_13 : vector<1x8192xf32> to vector<1x8192xf32>
    %broadcast_in_dim3A_45 = vector.broadcast %broadcast_in_dim3A_44 : vector<1x8192xf32> to vector<256x8192xf32>
    %broadcast_in_dim3A_46 = vector.broadcast %jit3A_43 : f32 to vector<256x8192xf32>
    %select_n3A_47 = arith.select %eq3A_42, %broadcast_in_dim3A_45, %broadcast_in_dim3A_46 : vector<256x8192xi1>, vector<256x8192xf32>
    %reduce_min3A_48 = arith.constant dense<0x7F800000> : vector<256xf32>
    %reduce_min3A_49 = vector.multi_reduction <minimumf>, %select_n3A_47, %reduce_min3A_48 [1] : vector<256x8192xf32> to vector<256xf32>
    %broadcast_in_dim3A_50 = vector.shape_cast %reduce_min3A_49 : vector<256xf32> to vector<256x1xf32>
    %get3A_51 = arith.constant 0 : index
    %get3A_52 = arith.constant 0 : index
    %get3A_53 = vector.load %arg6[%get3A_51, %get3A_52] : memref<1x1xi32, #tpu.memory_space<vmem>>, vector<1x1xi32>
    %eq3A_54 = arith.constant 0 : i32
    %eq3A_55 = vector.broadcast %eq3A_54 : i32 to vector<1x1xi32>
    %eq3A_56 = arith.cmpi eq, %get3A_53, %eq3A_55 : vector<1x1xi32>
    %broadcast_in_dim3A_57 = vector.shape_cast %eq3A_56 : vector<1x1xi1> to vector<1x1xi1>
    %broadcast_in_dim3A_58 = vector.broadcast %broadcast_in_dim3A_57 : vector<1x1xi1> to vector<256x1xi1>
    %select_n3A_59 = arith.select %broadcast_in_dim3A_58, %broadcast_in_dim3A_32, %broadcast_in_dim3A_50 : vector<256x1xi1>, vector<256x1xf32>
    %convert_element_type3A = arith.fptosi %select_n3A_59 : vector<256x1xf32> to vector<256x1xi32>
    %swap3A_60 = arith.constant 0 : index
    %swap3A_61 = arith.constant 0 : index
    %swap3A_62 = vector.load %arg8[%swap3A_60, %swap3A_61] : memref<256x1xi32, #tpu.memory_space<vmem>>, vector<256x1xi32>
    tpu.vector_store %arg8[%swap3A_60, %swap3A_61], %convert_element_type3A {strides = array<i32>} : memref<256x1xi32, #tpu.memory_space<vmem>>, vector<256x1xi32>,
    return
  }
  func.func @transform_0(%arg0: i32) -> (i32, i32) {
    %c0_i32 = arith.constant 0 : i32
    %c0_i32_0 = arith.constant 0 : i32
    return %arg0, %c0_i32 : i32, i32
  }
  func.func @transform_1(%arg0: i32) -> (i32, i32) {
    %c0_i32 = arith.constant 0 : i32
    %c0_i32_0 = arith.constant 0 : i32
    %c0_i32_1 = arith.constant 0 : i32
    return %c0_i32, %c0_i32_0 : i32, i32
  }
  func.func @transform_2(%arg0: i32) -> (i32, i32) {
    %c0_i32 = arith.constant 0 : i32
    %c0_i32_0 = arith.constant 0 : i32
    return %arg0, %c0_i32 : i32, i32
  }
  func.func @transform_3(%arg0: i32) -> (i32, i32) {
    %c0_i32 = arith.constant 0 : i32
    %c0_i32_0 = arith.constant 0 : i32
    %c0_i32_1 = arith.constant 0 : i32
    return %c0_i32, %c0_i32_0 : i32, i32
  }
  func.func @transform_4(%arg0: i32) -> (i32, i32) {
    %c0_i32 = arith.constant 0 : i32
    %c0_i32_0 = arith.constant 0 : i32
    %c0_i32_1 = arith.constant 0 : i32
    return %c0_i32, %c0_i32_0 : i32, i32
  }
  func.func @transform_5(%arg0: i32) -> (i32, i32) {
    %c0_i32 = arith.constant 0 : i32
    %c0_i32_0 = arith.constant 0 : i32
    %c0_i32_1 = arith.constant 0 : i32
    return %c0_i32, %c0_i32_0 : i32, i32
  }
  func.func @transform_6(%arg0: i32) -> (i32, i32) {
    %c0_i32 = arith.constant 0 : i32
    %c0_i32_0 = arith.constant 0 : i32
    return %arg0, %c0_i32 : i32, i32
  }
  func.func @transform_7(%arg0: i32) -> (i32, i32) {
    %c0_i32 = arith.constant 0 : i32
    %c0_i32_0 = arith.constant 0 : i32
    return %arg0, %c0_i32 : i32, i32
  }
}

</mosaic_0001>

<sc_bundles>
// kernel: kernel.4.cloned.1.call-start
scs
__scs_entry_jumppad:
0x0: {  	(pc) =	sbr.rel $0x88, $3  }
0x1: {  	(tag) =	ssettag $0x0;
	lr =	simm.s32 $0x1  }
0x2: {  	[smem:$0x3F9E] =	sst lr;
	_ =	strace $0xD0000000  }
0x3: {  	_ = 	snop  }
0x4: {  	_ = 	snop  }
0x5: {  	_ = 	snop  }
0x6: {  	_ = 	snop  }
0x7: {  	_ = 	snop  }
__scs_overlays_trampoline_lowered:
0x8: {  	[smem:$0x3FAD] =	sst s0  }
0x9: {  	[smem:$0x3FAE] =	sst s1  }
0xa: {  	[smem:$0x3FAF] =	sst s2  }
0xb: {  	[smem:$0x3FB0] =	sst s3  }
0xc: {  	[smem:$0x3FB1] =	sst s4  }
0xd: {  	[smem:$0x3FB2] =	sst s5  }
0xe: {  	[smem:$0x3FB3] =	sst s6  }
0xf: {  	[smem:$0x3FB4] =	sst s7  }
0x10: {  	[smem:$0x3FB5] =	sst s8  }
0x11: {  	[smem:$0x3FB6] =	sst s9;
	s0 =	simm.s32 @!p0 $0x0  }
0x12: {  	s1 =	sld [smem:$0x3F9C];
	s0 =	simm.s32 @p0 $0x1  }
0x13: {  	[smem:$0x3FB7] =	sst s0;
	s0 =	simm.s32 @!p1 $0x0  }
0x14: {  	s2 =	sld [smem:$0x3F9B];
	s0 =	simm.s32 @p1 $0x1  }
0x15: {  	[smem:$0x3FB8] =	sst s0;
	s0 =	simm.s32 @!p2 $0x0  }
0x16: {  	s3 =	sld [smem:$0x3FDB];
	s0 =	simm.s32 @p2 $0x1  }
0x17: {  	s4 =	simm.s32 $0x1BF5;
	[smem:$0x3FBA] =	sst s0  }
0x18: {  	s0 =	sld [smem:$0x3F9D];
	_ =	swait.ge [sflag:s4], $0x0  }
0x19: {  	s7 =	sld [smem:$0x3F9E]  }
0x1a: {  	s8 =	sadd.s32 $0xFFFFE003, lr  }
0x1b: {  	s9 =	sadd.s32 $0xFFFFFEF7, lr;
	s5 =	simm.s32 $0xFFFFFFFF;
	p2 =	slt.u32 s8, $0xFFFFF086  }
0x1c: {  	p1 =	slt.u32 s9, $0xF7A;
	s5 =	simm.s32 @!p2 $0x0  }
0x1d: {  	s5 =	simm.s32 @p1 $0x1;
	p0 =	seq.s32 s7, s2  }
0x1e: {  	s7 =	smul.u32 @!p0 $0xF7A, s2;
	p2 =	seq.s32 @!p0 s5, $0x0  }
0x1f: {  	s9 =	smul.u32 $0xF7A, s1;
	s8 =	simm.s32 @!p0 $0x1BF5;
	p2 =	por !p2, p0  }
0x20: {  	[sflag:s8] =	ssyncset.s32 @!p0 $0xFFFFF086;
	s6 =	sadd.s32 @!p0 s3, s7;
	s7 =	simm.s32 @!p0 $0x108  }
0x21: {  	s3 =	sadd.s32 s3, s9;
	s6 =	sadd.s32 @!p0 $0x88, s6;
	s7 =	simm.s32 @p2 $0x1082  }
0x22: {  	[simem:s7], [sflag:s8] =	dma.local @!p0 [hbm:s6], $0xF7A  }
0x23: {  	s9 =	sor.u32 $0xD0000000, s2;
	s6 =	simm.s32 $0x108;
	_ =	swait.ge @!p0 [sflag:s8], $0x0  }
0x24: {  	s3 =	sadd.s32 $0x88, s3;
	s6 =	simm.s32 @!p1 $0x1082;
	[sflag:s4] =	ssyncset.s32 $0xFFFFF086  }
0x25: {  	[simem:s6], [sflag:s4] =	dma.local [hbm:s3], $0xF7A  }
0x26: {  	[smem:$0x3F9E] =	sst s1;
	(tag) =	ssettag s2;
	_ =	strace s9  }
0x27: {  	s1 =	sld [smem:$0x3FAE]  }
0x28: {  	s2 =	sld [smem:$0x3FAF]  }
0x29: {  	s4 =	sld [smem:$0x3FB1]  }
0x2a: {  	p0 =	seq.s32 s5, $0x0;
	s5 =	sld [smem:$0x3FB2]  }
0x2b: {  	s6 =	sld [smem:$0x3FB3]  }
0x2c: {  	s7 =	sld [smem:$0x3FB4]  }
0x2d: {  	s3 =	simm.s32 $0x108;
	s8 =	sld [smem:$0x3FB5]  }
0x2e: {  	s3 =	simm.s32 @!p0 $0x1082;
	s9 =	sld [smem:$0x3FB6]  }
0x2f: {  	lr =	sadd.s32 s0, s3;
	s0 =	sld [smem:$0x3FAD]  }
0x30: {  	s3 =	sld [smem:$0x3FB0]  }
0x31: {  	[smem:$0x3FB9] =	sst s10  }
0x32: {  	s10 =	sld [smem:$0x3FB7];
	_ =	sdelay $0x3  }
0x33: {  	p0 =	seq.s32 s10, $0x1;
	s10 =	sld [smem:$0x3FB9];
	_ =	sdelay $0x3  }
0x34: {  	[smem:$0x3FB9] =	sst s10  }
0x35: {  	s10 =	sld [smem:$0x3FB8];
	_ =	sdelay $0x3  }
0x36: {  	p1 =	seq.s32 s10, $0x1;
	s10 =	sld [smem:$0x3FB9];
	_ =	sdelay $0x3  }
0x37: {  	[smem:$0x3FB9] =	sst s10  }
0x38: {  	s10 =	sld [smem:$0x3FBA]  }
0x39: {  	_ = 	snop;
	(pc) =	sbr.ind lr, $3  }
0x3a: {  	_ = 	snop  }
0x3b: {  	_ = 	snop  }
0x3c: {  	p2 =	seq.s32 s10, $0x1;
	s10 =	sld [smem:$0x3FB9]  }
0x3d: {  	_ =	shalt  }
0x3e: {  	_ =	shalt  }
0x3f: {  	_ =	shalt  }
0x40: {  	_ =	shalt  }
0x41: {  	_ =	shalt  }
0x42: {  	_ =	shalt  }
0x43: {  	_ =	shalt  }
0x44: {  	_ =	shalt  }
0x45: {  	_ =	shalt  }
0x46: {  	_ =	shalt  }
0x47: {  	_ =	shalt  }
0x48: {  	_ =	shalt  }
0x49: {  	_ =	shalt  }
0x4a: {  	_ =	shalt  }
0x4b: {  	_ =	shalt  }
0x4c: {  	_ =	shalt  }
0x4d: {  	_ =	shalt  }
0x4e: {  	_ =	shalt  }
0x4f: {  	_ =	shalt  }
0x50: {  	_ =	shalt  }
0x51: {  	_ =	shalt  }
0x52: {  	_ =	shalt  }
0x53: {  	_ =	shalt  }
0x54: {  	_ =	shalt  }
0x55: {  	_ =	shalt  }
0x56: {  	_ =	shalt  }
0x57: {  	_ =	shalt  }
0x58: {  	_ =	shalt  }
0x59: {  	_ =	shalt  }
0x5a: {  	_ =	shalt  }
0x5b: {  	_ =	shalt  }
0x5c: {  	_ =	shalt  }
0x5d: {  	_ =	shalt  }
0x5e: {  	_ =	shalt  }
0x5f: {  	_ =	shalt  }
0x60: {  	_ =	shalt  }
0x61: {  	_ =	shalt  }
0x62: {  	_ =	shalt  }
0x63: {  	_ =	shalt  }
0x64: {  	_ =	shalt  }
0x65: {  	_ =	shalt  }
0x66: {  	_ =	shalt  }
0x67: {  	_ =	shalt  }
0x68: {  	_ =	shalt  }
0x69: {  	_ =	shalt  }
0x6a: {  	_ =	shalt  }
0x6b: {  	_ =	shalt  }
0x6c: {  	_ =	shalt  }
0x6d: {  	_ =	shalt  }
0x6e: {  	_ =	shalt  }
0x6f: {  	_ =	shalt  }
0x70: {  	_ =	shalt  }
0x71: {  	_ =	shalt  }
0x72: {  	_ =	shalt  }
0x73: {  	_ =	shalt  }
0x74: {  	_ =	shalt  }
0x75: {  	_ =	shalt  }
0x76: {  	_ =	shalt  }
0x77: {  	_ =	shalt  }
0x78: {  	_ =	shalt  }
0x79: {  	_ =	shalt  }
0x7a: {  	_ =	shalt  }
0x7b: {  	_ =	shalt  }
0x7c: {  	_ =	shalt  }
0x7d: {  	_ =	shalt  }
0x7e: {  	_ =	shalt  }
0x7f: {  	_ =	shalt  }
0x80: {  	_ =	shalt  }
0x81: {  	_ =	shalt  }
0x82: {  	_ =	shalt  }
0x83: {  	_ =	shalt  }
0x84: {  	_ =	shalt  }
0x85: {  	_ =	shalt  }
0x86: {  	_ =	shalt  }
0x87: {  	_ =	shalt  }
.Lfunc_end0:
.L_simem_size_0:
called_computation_lowered:
.L_overlay_start_0:
0x88: {  	s2 =	sld [smem:$0x3FD9]  }
0x89: {  	s3 =	sld [smem:$0x3FFE];
	_ =	sdelay $0x1  }
0x8a: {  	s1 =	srdreg.scid  }
0x8b: {  	s0 =	sand.u32 $0x1, s1  }
0x8c: {  	s14 =	sshll.u32 s0, $0xA;
	s2 =	sadd.s32 s3, s2  }
0x8d: {  	s2 =	sadd.s32 s2, s14  }
0x8e: {  	[smem:$0x3FC5] =	sst s2  }
0x8f: {  	_ = 	snop  }
0x90: {  	s2 =	sld [smem:$0x3FD0];
	_ =	sdelay $0x2  }
0x91: {  	s4 =	simm.s32 $0xA;
	s5 =	simm.s32 $0x10;
	s15 =	sld [smem:$0x3FC7]  }
0x92: {  	[smem:s5], [sflag:s4] =	dma.local [hbm:s2], $0x1  }
0x93: {  	_ =	swait.eq [sflag:s4], $0x1  }
0x94: {  	[sflag:s4] =	ssyncset.done $0x0  }
0x95: {  	[sflag:s4] =	ssyncadd.s32 $0xFFFFFFFF  }
0x96: {  	s16 =	sld [smem:$0x10];
	(tm) =	ssettm $0x1  }
0x97: {  	s17 =	sld [smem:$0x3FFB];
	_ =	sdelay $0x3  }
0x98: {  	_ =	strace s17  }
0x99: {  	s4 =	sld [smem:$0x3FFC];
	_ =	sdelay $0x3  }
0x9a: {  	_ =	strace s4  }
0x9b: {  	s4 =	sld [smem:$0x3FFD];
	_ =	sdelay $0x3  }
0x9c: {  	_ =	strace s4  }
0x9d: {  	_ =	strace $0x8FFFFFFF  }
0x9e: {  	s18 =	sld [smem:$0x3FDB];
	_ =	sdelay $0x1  }
0x9f: {  	s19 =	simm.s32 $_scs_section_size  }
0xa0: {  	s6 =	simm.s32 $_size__tile_overlayer_lowered;
	s7 =	simm.s32 $_tile_overlayer_lowered  }
0xa1: {  	s22 =	simm.s32 $0x1BFF;
	s21 =	sshll.u32 s7, $0x1;
	s4 =	sadd.s32 s19, s18  }
0xa2: {  	s8 =	simm.s32 $0x0;
	s20 =	sshll.u32 s6, $0x1;
	s6 =	sadd.s32 s21, s4  }
0xa3: {  	[timem:s8], [sflag:s22] =	dma.local [hbm:s6], s20  }
0xa4: {  	_ =	swait.ge [sflag:s22], s20  }
0xa5: {  	s5 =	ssub.s32 $0x0, s20;
	[sflag:s22] =	ssyncset.done $0x0  }
0xa6: {  	[sflag:s22] =	ssyncadd.s32 s5;
	_ =	sdelay $0x1  }
0xa7: {  	s23 =	simm.s32 $0x1B8B  }
0xa8: {  	_ =	swait.ge [sflag:s23], $0x1  }
0xa9: {  	[sflag:s23] =	ssyncset.done $0x0  }
0xaa: {  	s25 =	simm.s32 $0x1B8E;
	s24 =	sld [smem:$0x3FFE];
	[sflag:s23] =	ssyncadd.s32 $0xFFFFFFFF  }
0xab: {  	s26 =	simm.s32 $execute0_lowered;
	[smem:$0x3FD2] =	sst s25  }
0xac: {  	s6 =	sshll.u32 s26, $0x1;
	_ =	strace $0x80000046;
	[dreg:$0x1] =	wrdreg $0xFFFFFFFF  }
0xad: {  	s28 =	simm.s32 $_size_execute0_lowered;
	s4 =	sadd.s32 s4, s6;
	[dreg:$0x0] =	wrdreg $0x0  }
0xae: {  	s6 =	sshll.u32 s28, $0x1;
	[dreg:$0x2] =	wrdreg s4  }
0xaf: {  	[dreg:$0x3] =	wrdreg s6  }
0xb0: {  	[dreg:$0x4] =	wrdreg $0xC0  }
0xb1: {  	_ =	task [dreg:s8], $0x5FFFF  }
0xb2: {  	[dreg:$0x1] =	wrdreg $0xFFFFFFFF  }
0xb3: {  	[dreg:$0x0] =	wrdreg $0x60  }
0xb4: {  	[dreg:$0x2] =	wrdreg s15  }
0xb5: {  	[dreg:$0x3] =	wrdreg s24  }
0xb6: {  	[dreg:$0x4] =	wrdreg s16  }
0xb7: {  	[dreg:$0x5] =	wrdreg $0x9  }
0xb8: {  	_ =	task.clear_ibuf [dreg:s8], $0x6FFFF;
	_ =	strace $0x90000046  }
0xb9: {  	s29 =	simm.s32 $0x9;
	_ =	strace $0x80000048  }
0xba: {  	_ =	swait.ge [sflag:s29], $0x1  }
0xbb: {  	[sflag:s29] =	ssyncadd.s32 $0xFFFFFFFF  }
0xbc: {  	_ =	strace $0x90000048  }
0xbd: {  	_ =	sfence  }
0xbe: {  	s30 =	sld [smem:$0x0];
	_ =	sdelay $0x2  }
0xbf: {  	s31 =	sshll.u32 s1, $0xD;
	s1 =	sshrl.u32 s1, $0x2  }
0xc0: {  	s3 =	sand.u32 $0x4000, s31;
	s1 =	sadd.s32 s1, s30  }
0xc1: {  	s0 =	sor.u32 s3, s0;
	s1 =	sshll.u32 s1, $0x11  }
0xc2: {  	s0 =	sor.u32 s1, s0  }
0xc3: {  	s0 =	sadd.s32 $0x8F2B, s0  }
0xc4: {  	[sflag:s0] =	ssyncadd.remote.s32 $0x1  }
0xc5: {  	_ =	sfence.sel $0xFFFF  }
0xc6: {  	[dreg:$0x0] =	wrdreg $0xFFFFFFFF;
	(pc) =	sbr.abs _section_cstart, $3  }
0xc7: {  	[dreg:$0x1] =	wrdreg $0xFFFFFFFF  }
0xc8: {  	_ =	task.clear_ibuf [dreg:s8], $0x2FFFF;
	_ =	strace $0x9FFFFFFF  }
0xc9: {  	(tm) =	ssettm $0x7FFFFFFF  }
tec
execute0_lowered:
.L_overlay_start_1:
0x0: {  	(tag) =	ssettag $0x1  }
0x1: {  	s1 =	rddreg [dreg:$0x0]  }
0x2: {  	s2 =	srdreg.scid;
	s4 =	rddreg [dreg:$0x1]  }
0x3: {  	s0 =	stileid.u32;
	s6 =	rddreg [dreg:$0x2]  }
0x4: {  	s3 =	simm.s32 $0x0;
	s9 =	simm.s32 $0x900;
	s10 =	simm.s32 $0x1100  }
0x5: {  	s11 =	simm.s32 $0x1900;
	s12 =	simm.s32 $0x2100;
	s13 =	simm.s32 $0x2900  }
0x6: {  	s14 =	simm.s32 $0x3100;
	s15 =	simm.s32 $0x3900;
	s16 =	simm.s32 $0x4100  }
0x7: {  	s17 =	simm.s32 $0x4900;
	s18 =	simm.s32 $0x5100;
	s19 =	simm.s32 $0x5900  }
0x8: {  	s20 =	simm.s32 $0x6100;
	s21 =	simm.s32 $0x6900;
	s22 =	simm.s32 $0x7100  }
0x9: {  	s23 =	simm.s32 $0x7900;
	s5 =	sand.u32 $0x1, s2;
	s30 =	sshll.u32 s0, $0x1  }
0xa: {  	s24 =	simm.s32 $0x8100;
	s25 =	simm.s32 $0x8900;
	s7 =	sor.u32 s5, s30  }
0xb: {  	s26 =	simm.s32 $0x1;
	s2 =	rddreg [dreg:$0x3];
	s8 =	smul.u32 $0x12, s7  }
0xc: {  	[smem:$0x7FF] =	sst s3;
	s5 =	ssub.s32 $0x2, s5;
	s7 =	smul.u32 $0x1200, s7  }
0xd: {  	v2 =	vlaneseq.u32;
	_ =	strace $0x80000047;
	s31 =	sshrl.u32 s5, $0x1;
	s4 =	sadd.s32 s8, s4  }
0xe: {  	vm0 =	vmmov $0xffff;
	v1 =	vshrl.u32 v2, $0x3;
	s8 =	ssub.s32 s5, s31;
	s5 =	sadd.s32 s6, s7;
	s7 =	simm.s32 $0x2  }
0xf: {  	v0 =	vand.u32 $0x7, v2;
	v2 =	vor.u32 $0x8, v2;
	v1 =	vmul.u32 $0x8, v1;
	s4 =	sadd.s32 $0x200, s4;
	s6 =	smax.u32 s8, $0x1;
	s8 =	simm.s32 $0x100  }
.LBB2_1:
0x10: {  	[tilespmem:s3], [sflag:$0x2] =	stream.linear.gather [hbm4b:s4+s3], $0x90, $0x38;
	[tilespmem:$0x9100] =	vst v63  }
0x11: {  	_ =	swait.ge [sflag:s7], $0x90  }
0x12: {  	[sflag:s7] =	ssyncset.done $0x0  }
0x13: {  	[sflag:s7] =	ssyncadd.s32 $0xFFFFFF70  }
0x14: {  	v3 =	vld [tilespmem:$0x0];
	_ =	sdelay $0x4  }
0x15: {  	v4 =	vshll.u32 v3, $0x1  }
0x16: {  	v3 =	vand.u32 $0x7, v3;
	v4 =	vand.u32 $0xFFFFFFF0, v4  }
0x17: {  	v3 =	vor.u32 v3, v4  }
0x18: {  	v4 =	vperm.xlane v3, v0;
	_ =	sdelay $0x1  }
0x19: {  	v3 =	vperm.xlane v3, v2;
	v4 =	vadd.s32 v1, v4;
	_ =	sdelay $0x1  }
0x1a: {  	v3 =	vadd.s32 v1, v3;
	_ =	sdelay $0x2  }
0x1b: {  	[tilespmem:s8], [sflag:$0x1] =	stream.indirect_vreg.gather [hbm4b:s1+s3], $0x80, v4, vm0, $0xb8;
	[tilespmem:$0x9100] =	vst v63  }
0x1c: {  	_ = 	snop  }
0x1d: {  	[tilespmem:s9], [sflag:$0x1] =	stream.indirect_vreg.gather [hbm4b:s1+s3], $0x80, v3, vm0, $0xb8;
	[tilespmem:$0x9100] =	vst v63  }
0x1e: {  	v3 =	vld [tilespmem:$0x10];
	_ =	sdelay $0x4  }
0x1f: {  	v56 =	vshll.u32 v3, $0x1  }
0x20: {  	v3 =	vand.u32 $0x7, v3;
	v4 =	vand.u32 $0xFFFFFFF0, v56  }
0x21: {  	v3 =	vor.u32 v3, v4  }
0x22: {  	v4 =	vperm.xlane v3, v0;
	_ =	sdelay $0x1  }
0x23: {  	v3 =	vperm.xlane v3, v2;
	v4 =	vadd.s32 v1, v4;
	_ =	sdelay $0x1  }
0x24: {  	v3 =	vadd.s32 v1, v3;
	_ =	sdelay $0x2  }
0x25: {  	[tilespmem:s10], [sflag:$0x1] =	stream.indirect_vreg.gather [hbm4b:s1+s3], $0x80, v4, vm0, $0xb8;
	[tilespmem:$0x9100] =	vst v63  }
0x26: {  	_ = 	snop  }
0x27: {  	[tilespmem:s11], [sflag:$0x1] =	stream.indirect_vreg.gather [hbm4b:s1+s3], $0x80, v3, vm0, $0xb8;
	[tilespmem:$0x9100] =	vst v63  }
0x28: {  	v3 =	vld [tilespmem:$0x20];
	_ =	sdelay $0x4  }
0x29: {  	v57 =	vshll.u32 v3, $0x1  }
0x2a: {  	v3 =	vand.u32 $0x7, v3;
	v4 =	vand.u32 $0xFFFFFFF0, v57  }
0x2b: {  	v3 =	vor.u32 v3, v4  }
0x2c: {  	v4 =	vperm.xlane v3, v0;
	_ =	sdelay $0x1  }
0x2d: {  	v3 =	vperm.xlane v3, v2;
	v4 =	vadd.s32 v1, v4;
	_ =	sdelay $0x1  }
0x2e: {  	v3 =	vadd.s32 v1, v3;
	_ =	sdelay $0x2  }
0x2f: {  	[tilespmem:s12], [sflag:$0x1] =	stream.indirect_vreg.gather [hbm4b:s1+s3], $0x80, v4, vm0, $0xb8;
	[tilespmem:$0x9100] =	vst v63  }
0x30: {  	_ = 	snop  }
0x31: {  	[tilespmem:s13], [sflag:$0x1] =	stream.indirect_vreg.gather [hbm4b:s1+s3], $0x80, v3, vm0, $0xb8;
	[tilespmem:$0x9100] =	vst v63  }
0x32: {  	v3 =	vld [tilespmem:$0x30];
	_ =	sdelay $0x4  }
0x33: {  	v58 =	vshll.u32 v3, $0x1  }
0x34: {  	v3 =	vand.u32 $0x7, v3;
	v4 =	vand.u32 $0xFFFFFFF0, v58  }
0x35: {  	v3 =	vor.u32 v3, v4  }
0x36: {  	v4 =	vperm.xlane v3, v0;
	_ =	sdelay $0x1  }
0x37: {  	v3 =	vperm.xlane v3, v2;
	v4 =	vadd.s32 v1, v4;
	_ =	sdelay $0x1  }
0x38: {  	v3 =	vadd.s32 v1, v3;
	_ =	sdelay $0x2  }
0x39: {  	[tilespmem:s14], [sflag:$0x1] =	stream.indirect_vreg.gather [hbm4b:s1+s3], $0x80, v4, vm0, $0xb8;
	[tilespmem:$0x9100] =	vst v63  }
0x3a: {  	_ = 	snop  }
0x3b: {  	[tilespmem:s15], [sflag:$0x1] =	stream.indirect_vreg.gather [hbm4b:s1+s3], $0x80, v3, vm0, $0xb8;
	[tilespmem:$0x9100] =	vst v63  }
0x3c: {  	v3 =	vld [tilespmem:$0x40];
	_ =	sdelay $0x4  }
0x3d: {  	v59 =	vshll.u32 v3, $0x1  }
0x3e: {  	v3 =	vand.u32 $0x7, v3;
	v4 =	vand.u32 $0xFFFFFFF0, v59  }
0x3f: {  	v3 =	vor.u32 v3, v4  }
0x40: {  	v4 =	vperm.xlane v3, v0;
	_ =	sdelay $0x1  }
0x41: {  	v3 =	vperm.xlane v3, v2;
	v4 =	vadd.s32 v1, v4;
	_ =	sdelay $0x1  }
0x42: {  	v3 =	vadd.s32 v1, v3;
	_ =	sdelay $0x2  }
0x43: {  	[tilespmem:s16], [sflag:$0x1] =	stream.indirect_vreg.gather [hbm4b:s1+s3], $0x80, v4, vm0, $0xb8;
	[tilespmem:$0x9100] =	vst v63  }
0x44: {  	_ = 	snop  }
0x45: {  	[tilespmem:s17], [sflag:$0x1] =	stream.indirect_vreg.gather [hbm4b:s1+s3], $0x80, v3, vm0, $0xb8;
	[tilespmem:$0x9100] =	vst v63  }
0x46: {  	v3 =	vld [tilespmem:$0x50];
	_ =	sdelay $0x4  }
0x47: {  	v60 =	vshll.u32 v3, $0x1  }
0x48: {  	v3 =	vand.u32 $0x7, v3;
	v4 =	vand.u32 $0xFFFFFFF0, v60  }
0x49: {  	v3 =	vor.u32 v3, v4  }
0x4a: {  	v4 =	vperm.xlane v3, v0;
	_ =	sdelay $0x1  }
0x4b: {  	v3 =	vperm.xlane v3, v2;
	v4 =	vadd.s32 v1, v4;
	_ =	sdelay $0x1  }
0x4c: {  	v3 =	vadd.s32 v1, v3;
	_ =	sdelay $0x2  }
0x4d: {  	[tilespmem:s18], [sflag:$0x1] =	stream.indirect_vreg.gather [hbm4b:s1+s3], $0x80, v4, vm0, $0xb8;
	[tilespmem:$0x9100] =	vst v63  }
0x4e: {  	_ = 	snop  }
0x4f: {  	[tilespmem:s19], [sflag:$0x1] =	stream.indirect_vreg.gather [hbm4b:s1+s3], $0x80, v3, vm0, $0xb8;
	[tilespmem:$0x9100] =	vst v63  }
0x50: {  	v3 =	vld [tilespmem:$0x60];
	_ =	sdelay $0x4  }
0x51: {  	v61 =	vshll.u32 v3, $0x1  }
0x52: {  	v3 =	vand.u32 $0x7, v3;
	v4 =	vand.u32 $0xFFFFFFF0, v61  }
0x53: {  	v3 =	vor.u32 v3, v4  }
0x54: {  	v4 =	vperm.xlane v3, v0;
	_ =	sdelay $0x1  }
0x55: {  	v3 =	vperm.xlane v3, v2;
	v4 =	vadd.s32 v1, v4;
	_ =	sdelay $0x1  }
0x56: {  	v3 =	vadd.s32 v1, v3;
	_ =	sdelay $0x2  }
0x57: {  	[tilespmem:s20], [sflag:$0x1] =	stream.indirect_vreg.gather [hbm4b:s1+s3], $0x80, v4, vm0, $0xb8;
	[tilespmem:$0x9100] =	vst v63  }
0x58: {  	_ = 	snop  }
0x59: {  	[tilespmem:s21], [sflag:$0x1] =	stream.indirect_vreg.gather [hbm4b:s1+s3], $0x80, v3, vm0, $0xb8;
	[tilespmem:$0x9100] =	vst v63  }
0x5a: {  	v3 =	vld [tilespmem:$0x70];
	_ =	sdelay $0x4  }
0x5b: {  	v62 =	vshll.u32 v3, $0x1  }
0x5c: {  	v3 =	vand.u32 $0x7, v3;
	v4 =	vand.u32 $0xFFFFFFF0, v62  }
0x5d: {  	v3 =	vor.u32 v3, v4  }
0x5e: {  	v4 =	vperm.xlane v3, v0;
	_ =	sdelay $0x1  }
0x5f: {  	v3 =	vperm.xlane v3, v2;
	v4 =	vadd.s32 v1, v4;
	_ =	sdelay $0x1  }
0x60: {  	v3 =	vadd.s32 v1, v3;
	_ =	sdelay $0x2  }
0x61: {  	[tilespmem:s22], [sflag:$0x1] =	stream.indirect_vreg.gather [hbm4b:s1+s3], $0x80, v4, vm0, $0xb8;
	[tilespmem:$0x9100] =	vst v63  }
0x62: {  	_ = 	snop  }
0x63: {  	[tilespmem:s23], [sflag:$0x1] =	stream.indirect_vreg.gather [hbm4b:s1+s3], $0x80, v3, vm0, $0xb8;
	[tilespmem:$0x9100] =	vst v63  }
0x64: {  	v3 =	vld [tilespmem:$0x80];
	_ =	sdelay $0x4  }
0x65: {  	v63 =	vshll.u32 v3, $0x1  }
0x66: {  	v3 =	vand.u32 $0x7, v3;
	v4 =	vand.u32 $0xFFFFFFF0, v63  }
0x67: {  	v3 =	vor.u32 v3, v4  }
0x68: {  	v4 =	vperm.xlane v3, v0;
	_ =	sdelay $0x1  }
0x69: {  	v3 =	vperm.xlane v3, v2;
	v4 =	vadd.s32 v1, v4;
	_ =	sdelay $0x1  }
0x6a: {  	v3 =	vadd.s32 v1, v3;
	_ =	sdelay $0x2  }
0x6b: {  	[tilespmem:s24], [sflag:$0x1] =	stream.indirect_vreg.gather [hbm4b:s1+s3], $0x80, v4, vm0, $0xb8;
	[tilespmem:$0x9100] =	vst v63  }
0x6c: {  	_ = 	snop  }
0x6d: {  	[tilespmem:s25], [sflag:$0x1] =	stream.indirect_vreg.gather [hbm4b:s1+s3], $0x80, v3, vm0, $0xb8;
	[tilespmem:$0x9100] =	vst v63  }
0x6e: {  	_ =	swait.ge [sflag:s26], $0x9000  }
0x6f: {  	p0 =	sne.s32 s6, $0x1;
	[sflag:s26] =	ssyncset.done $0x0  }
.Ltmp0:
0x70: {  	[sflag:s26] =	ssyncadd.s32 $0xFFFF7000;
	(pc) =	sbr.rel @p0 .LBB2_1-.Ltmp0, $4  }
0x71: {  	[hbm4b:s5+s3] =	stream.linear.scatter [tilespmem:s8], [sflag:$0x2], $0x9000, $0x38;
	[tilespmem:$0x9100] =	vst v63  }
0x72: {  	_ =	swait.ge [sflag:s7], $0x9000  }
0x73: {  	[sflag:s7] =	ssyncset.done $0x0  }
0x74: {  	s6 =	sadd.s32 $0xFFFFFFFF, s6;
	[sflag:s7] =	ssyncadd.s32 $0xFFFF7000  }
0x75: {  	_ =	sfence.sel $0x180000  }
0x76: {  	[bflag:$0x0] =	sbarrier.arrive $0xFFFF  }
0x77: {  	p0 =	sne.s32 s0, $0x0;
	_ =	strace $0x90000047  }
0x78: {  	s0 =	sadd.s32 @!p0 $0x100000, s2;
	[bflag:$0x2] =	sbarrier.arrive $0xFFFF  }
0x79: {  	[sflag:s0] =	ssyncadd.tile.s32 @!p0 $0x1;
	_ =	shalt  }
.Lfunc_end2:
_tile_overlayer_lowered:
.L_overlay_start_2:
0x7a: {  	(tag) =	ssettag $0x2  }
0x7b: {  	s0 =	rddreg [dreg:$0x0];
	s2 =	stileid.u32  }
0x7c: {  	s1 =	rddreg [dreg:$0x1];
	p0 =	sne.s32 s2, $0x0  }
0x7d: {  	s3 =	rddreg [dreg:$0x2];
	[bflag:$0x3] =	sbarrier.arrive $0xFFFF;
	s2 =	simm.s32 @!p0 $0x1C02  }
0x7e: {  	[timem:s3], [sflag:s2] =	dma.local @!p0 [hbm:s0], s1  }
0x7f: {  	s0 =	simm.s32 @!p0 $0x2  }
0x80: {  	_ =	swait.ge @!p0 [sflag:s0], s1  }
0x81: {  	s1 =	ssub.s32 @!p0 $0x0, s1;
	[sflag:s0] =	ssyncset.done @!p0 $0x0  }
0x82: {  	[sflag:s0] =	ssyncadd.s32 @!p0 s1  }
0x83: {  	[bflag:$0x3] =	sbarrier.arrive $0xFFFF  }
0x84: {  	_ =	shalt  }

</sc_bundles>
